<compile_context>
chip_gen: v7x
topology: tpu7x:2x2x1
jax: 0.10.2.dev20260603
libtpu: 0.0.44.dev20260713+nightly
codegen_flags: <defaults>
</compile_context>

<pallas_src>
import functools

import jax
import jax.numpy as jnp
from jax import lax
from jax.experimental import pallas as pl
from jax.experimental.pallas import tpu as pltpu
from jax.experimental.pallas import tpu_sc as plsc

_NC = 2
_NS = 16
_NW = _NC * _NS
_B = 128


def _seg_body(chunks, rows_per_tile,
              x_hbm, src_hbm, dst_hbm, zeros_hbm, out_hbm,
              src_v, dst_v, rows_v, acc, sem):
    cid = lax.axis_index("c")
    sid = lax.axis_index("s")
    wid = cid * _NS + sid

    pltpu.sync_copy(zeros_hbm.at[pl.ds(sid * rows_per_tile, rows_per_tile)],
                    acc.at[pl.ds(sid * rows_per_tile, rows_per_tile)])
    pltpu.sync_copy(src_hbm.at[wid], src_v)
    pltpu.sync_copy(dst_hbm.at[wid], dst_v)
    plsc.subcore_barrier()

    def body(c, carry):
        pltpu.async_copy(x_hbm.at[src_v.at[c]], rows_v, sem).wait()
        pltpu.sync_copy(rows_v, acc.at[dst_v.at[c]], add=True)
        return carry

    lax.fori_loop(0, chunks, body, 0)
    plsc.subcore_barrier()

    pltpu.sync_copy(acc.at[pl.ds(sid * rows_per_tile, rows_per_tile)],
                    out_hbm.at[cid, pl.ds(sid * rows_per_tile, rows_per_tile)])


def _sc_segment_sum(x, src3, dst3, zeros):
    _, d = x.shape
    nrows_pad = zeros.shape[0]
    chunks = src3.shape[1]
    rows_per_tile = nrows_pad // _NS
    mesh = plsc.VectorSubcoreMesh(core_axis_name="c", subcore_axis_name="s")
    f = pl.kernel(
        functools.partial(_seg_body, chunks, rows_per_tile),
        out_type=jax.ShapeDtypeStruct((_NC, nrows_pad, d), jnp.float32),
        mesh=mesh,
        scratch_types=[
            pltpu.VMEM((chunks, _B), jnp.int32),
            pltpu.VMEM((chunks, _B), jnp.int32),
            pltpu.VMEM((_B, d), jnp.float32),
            pltpu.VMEM_SHARED((nrows_pad, d), jnp.float32),
            pltpu.SemaphoreType.DMA,
        ],
    )
    return f(x, src3, dst3, zeros)


def _z_body(parts_ref, x_ref, wrel_ref, b2_ref, wroot_ref, z_ref):
    agg = parts_ref[0] + parts_ref[1]
    z_ref[...] = (
        jnp.dot(agg, wrel_ref[...], preferred_element_type=jnp.float32)
        + jnp.dot(x_ref[...], wroot_ref[...], preferred_element_type=jnp.float32)
        + b2_ref[...]
    )


def _zcompute(parts, x, W_rel, b2, W_root):
    n, d = x.shape
    dh = W_rel.shape[1]
    return pl.pallas_call(
        _z_body,
        grid=(1,),
        in_specs=[
            pl.BlockSpec((2, n, d), lambda i: (0, 0, 0)),
            pl.BlockSpec((n, d), lambda i: (0, 0)),
            pl.BlockSpec(W_rel.shape, lambda i: (0, 0)),
            pl.BlockSpec(b2.shape, lambda i: (0, 0)),
            pl.BlockSpec(W_root.shape, lambda i: (0, 0)),
        ],
        out_specs=pl.BlockSpec((n, dh), lambda i: (0, 0)),
        out_shape=jax.ShapeDtypeStruct((n, dh), jnp.float32),
    )(parts, x, W_rel, b2, W_root)


def _dec_body(zr_ref, zf_ref, o_ref):
    logits = lax.dot_general(
        zr_ref[...], zf_ref[...], (((1,), (1,)), ((), ())),
        preferred_element_type=jnp.float32,
    )
    o_ref[...] = jax.nn.sigmoid(logits)


def _decoder(z, rows_blk):
    n, dh = z.shape
    grid = (n // rows_blk,)
    return pl.pallas_call(
        _dec_body,
        grid=grid,
        in_specs=[
            pl.BlockSpec((rows_blk, dh), lambda i: (i, 0)),
            pl.BlockSpec((n, dh), lambda i: (0, 0)),
        ],
        out_specs=pl.BlockSpec((rows_blk, n), lambda i: (i, 0)),
        out_shape=jax.ShapeDtypeStruct((n, n), jnp.float32),
    )(z, z)


def kernel(x, edge_index, W_rel, b_rel, W_root):
    n, d = x.shape
    dh = W_rel.shape[1]
    e = edge_index.shape[1]

    chunks = -(-e // (_NW * _B))
    e_pad = _NW * chunks * _B
    src = edge_index[0]
    dst = edge_index[1]
    if e_pad != e:
        pad = e_pad - e
        src = jnp.concatenate([src, jnp.zeros((pad,), jnp.int32)])
        dst = jnp.concatenate([dst, jnp.full((pad,), n, jnp.int32)])
    src3 = src.reshape(_NW, chunks, _B)
    dst3 = dst.reshape(_NW, chunks, _B)
    nrows_pad = -(-(n + 1) // (_NS * 8)) * (_NS * 8)
    zeros = jnp.zeros((nrows_pad, d), jnp.float32)

    parts = _sc_segment_sum(x, src3, dst3, zeros)
    z = _zcompute(parts, x, W_rel, b_rel.reshape(1, dh), W_root)
    adj = _decoder(z, 400)
    return adj, z

# --- scband reference (transcript-rebuilt; emitter-appended) ---
"""Pipeline reference for scband-gcnae-74431783239742 (READ-ONLY COPY).

The authoritative reference and input builder live on the scoring server;
editing this copy changes nothing except your own understanding.
"""

import jax, jax.numpy as jnp
import numpy as np

N = 10000
E = 320000
D_IN = 128
D_H = 64


def setup_inputs(seed: int = 0) -> dict:
    key = jax.random.key(seed)
    k1, k2, k3, k4, k5 = jax.random.split(key, 5)
    x = jax.random.normal(k1, (N, D_IN), dtype=jnp.float32)
    edge_index = jax.random.randint(k2, (2, E), 0, N, dtype=jnp.int32)
    # PyG GraphConv params: lin_rel (weight+bias) applied to aggregated neighbors,
    # lin_root (weight only) applied to self features.
    W_rel = jax.random.normal(k3, (D_IN, D_H), dtype=jnp.float32) * (1.0 / np.sqrt(D_IN))
    b_rel = jnp.zeros((D_H,), dtype=jnp.float32)
    W_root = jax.random.normal(k4, (D_IN, D_H), dtype=jnp.float32) * (1.0 / np.sqrt(D_IN))
    return {"x": x, "edge_index": edge_index, "W_rel": W_rel, "b_rel": b_rel, "W_root": W_root}


def reference(x, edge_index, W_rel, b_rel, W_root):
    # Single GraphConv layer (n_layers=1). edge_weight=None -> unweighted sum aggregation.
    src = edge_index[0]
    dst = edge_index[1]
    msgs = jnp.take(x, src, axis=0)              # gather source node features per edge
    agg = jax.ops.segment_sum(msgs, dst, num_segments=N)  # scatter-add to dst nodes
    z = agg @ W_rel + b_rel + x @ W_root         # GraphConv: lin_rel(aggr) + lin_root(x)
    # activation=None, dropout inactive in eval mode
    # InnerProductDecoder (dropout inactive in eval): sigmoid(z z^T)
    adj = jax.nn.sigmoid(z @ z.T)
    return adj, z

if __name__ == "__main__":
    import jax
    _d = setup_inputs()
    print(jax.jit(kernel)(*tuple(_d.values())))

</pallas_src>

<mosaic_0001>
#map = affine_map<(d0, d1) -> (0, 0)>
#map1 = affine_map<(d0, d1) -> (0, 0, 0)>
module attributes {stable_mosaic.version = 14 : i64} {
  func.func @_seg_body(%arg0: i32, %arg1: i32, %arg2: memref<10000x128xf32, #tpu.memory_space<hbm>>, %arg3: memref<32x79x128xi32, #tpu.memory_space<hbm>>, %arg4: memref<32x79x128xi32, #tpu.memory_space<hbm>>, %arg5: memref<10112x128xf32, #tpu.memory_space<hbm>>, %arg6: memref<2x10112x128xf32, #tpu.memory_space<hbm>>, %arg7: memref<79x128xi32, #tpu.memory_space<vmem>>, %arg8: memref<79x128xi32, #tpu.memory_space<vmem>>, %arg9: memref<128x128xf32, #tpu.memory_space<vmem>>, %arg10: memref<10112x128xf32, #tpu.memory_space<vmem_shared>>, %arg11: memref<!tpu.dma_semaphore, #tpu.memory_space<semaphore_mem>>) attributes {dimension_semantics = [#tpu.dimension_semantics<core_parallel>, #tpu.dimension_semantics<subcore_parallel>], iteration_bounds = array<i64: 2, 16>, scalar_prefetch = 0 : i64, scratch_operands = 5 : i64, tpu.core_type = #tpu.core_type<sc_vector_subcore>, window_params = [{transform_indices = #map}, {transform_indices = #map1}, {transform_indices = #map1}, {transform_indices = #map}, {transform_indices = #map1}]} {
    %mul3A = arith.constant 16 : i32
    %mul3A_0 = arith.muli %arg0, %mul3A : i32
    %add3A = arith.addi %mul3A_0, %arg1 : i32
    %mul3A_1 = arith.constant 632 : i32
    %mul3A_2 = arith.muli %arg1, %mul3A_1 : i32
    %mul3A_3 = arith.constant 632 : i32
    %mul3A_4 = arith.muli %arg1, %mul3A_3 : i32
    "tpu.region"() ({
      %run_scoped3A = tpu.sem_alloc : memref<!tpu.dma_semaphore, #tpu.memory_space<semaphore_mem>>
      %dma_start3A = arith.constant 0 : i32
      %dma_start3A_15 = tpu.memref_slice %arg10[%mul3A_4, %dma_start3A] : memref<10112x128xf32, #tpu.memory_space<vmem_shared>> -> memref<632x128xf32, #tpu.memory_space<vmem_shared>>
      %dma_start3A_16 = arith.constant 0 : i32
      %dma_start3A_17 = tpu.memref_slice %arg5[%mul3A_2, %dma_start3A_16] : memref<10112x128xf32, #tpu.memory_space<hbm>> -> memref<632x128xf32, #tpu.memory_space<hbm>>
      tpu.enqueue_dma source(%dma_start3A_17 : memref<632x128xf32, #tpu.memory_space<hbm>>) target(%dma_start3A_15 : memref<632x128xf32, #tpu.memory_space<vmem_shared>>) target_semaphore(%run_scoped3A : memref<!tpu.dma_semaphore, #tpu.memory_space<semaphore_mem>>)
      %dma_wait3A = arith.constant 0 : i32
      %dma_wait3A_18 = tpu.memref_slice %arg10[%mul3A_4, %dma_wait3A] : memref<10112x128xf32, #tpu.memory_space<vmem_shared>> -> memref<632x128xf32, #tpu.memory_space<vmem_shared>>
      %dma_wait3A_19 = arith.constant 0 : i32
      %dma_wait3A_20 = tpu.memref_slice %arg5[%mul3A_2, %dma_wait3A_19] : memref<10112x128xf32, #tpu.memory_space<hbm>> -> memref<632x128xf32, #tpu.memory_space<hbm>>
      tpu.wait_dma2 semaphore(%run_scoped3A : memref<!tpu.dma_semaphore, #tpu.memory_space<semaphore_mem>>) src(%dma_wait3A_20 : memref<632x128xf32, #tpu.memory_space<hbm>>) dst(%dma_wait3A_18 : memref<632x128xf32, #tpu.memory_space<vmem_shared>>)
      tpu.yield
    }) : () -> ()
    "tpu.region"() ({
      %run_scoped3A = tpu.sem_alloc : memref<!tpu.dma_semaphore, #tpu.memory_space<semaphore_mem>>
      %dma_start3A = arith.constant 0 : i32
      %dma_start3A_15 = arith.constant 0 : i32
      %dma_start3A_16 = tpu.memref_slice %arg3[%add3A, %dma_start3A, %dma_start3A_15] : memref<32x79x128xi32, #tpu.memory_space<hbm>> -> memref<1x79x128xi32, #tpu.memory_space<hbm>>
      %dma_start3A_17 = tpu.memref_squeeze %dma_start3A_16 : memref<1x79x128xi32, #tpu.memory_space<hbm>> -> memref<79x128xi32, #tpu.memory_space<hbm>>
      %dma_start3A_18 = arith.constant 0 : i32
      %dma_start3A_19 = arith.constant 0 : i32
      %dma_start3A_20 = tpu.memref_slice %arg3[%add3A, %dma_start3A_18, %dma_start3A_19] : memref<32x79x128xi32, #tpu.memory_space<hbm>> -> memref<1x79x128xi32, #tpu.memory_space<hbm>>
      %dma_start3A_21 = tpu.memref_squeeze %dma_start3A_20 : memref<1x79x128xi32, #tpu.memory_space<hbm>> -> memref<79x128xi32, #tpu.memory_space<hbm>>
      tpu.enqueue_dma source(%dma_start3A_21 : memref<79x128xi32, #tpu.memory_space<hbm>>) target(%arg7 : memref<79x128xi32, #tpu.memory_space<vmem>>) target_semaphore(%run_scoped3A : memref<!tpu.dma_semaphore, #tpu.memory_space<semaphore_mem>>)
      %dma_wait3A = arith.constant 0 : i32
      %dma_wait3A_22 = arith.constant 0 : i32
      %dma_wait3A_23 = tpu.memref_slice %arg3[%add3A, %dma_wait3A, %dma_wait3A_22] : memref<32x79x128xi32, #tpu.memory_space<hbm>> -> memref<1x79x128xi32, #tpu.memory_space<hbm>>
      %dma_wait3A_24 = tpu.memref_squeeze %dma_wait3A_23 : memref<1x79x128xi32, #tpu.memory_space<hbm>> -> memref<79x128xi32, #tpu.memory_space<hbm>>
      %dma_wait3A_25 = arith.constant 0 : i32
      %dma_wait3A_26 = arith.constant 0 : i32
      %dma_wait3A_27 = tpu.memref_slice %arg3[%add3A, %dma_wait3A_25, %dma_wait3A_26] : memref<32x79x128xi32, #tpu.memory_space<hbm>> -> memref<1x79x128xi32, #tpu.memory_space<hbm>>
      %dma_wait3A_28 = tpu.memref_squeeze %dma_wait3A_27 : memref<1x79x128xi32, #tpu.memory_space<hbm>> -> memref<79x128xi32, #tpu.memory_space<hbm>>
      tpu.wait_dma2 semaphore(%run_scoped3A : memref<!tpu.dma_semaphore, #tpu.memory_space<semaphore_mem>>) src(%dma_wait3A_28 : memref<79x128xi32, #tpu.memory_space<hbm>>) dst(%arg7 : memref<79x128xi32, #tpu.memory_space<vmem>>)
      tpu.yield
    }) : () -> ()
    "tpu.region"() ({
      %run_scoped3A = tpu.sem_alloc : memref<!tpu.dma_semaphore, #tpu.memory_space<semaphore_mem>>
      %dma_start3A = arith.constant 0 : i32
      %dma_start3A_15 = arith.constant 0 : i32
      %dma_start3A_16 = tpu.memref_slice %arg4[%add3A, %dma_start3A, %dma_start3A_15] : memref<32x79x128xi32, #tpu.memory_space<hbm>> -> memref<1x79x128xi32, #tpu.memory_space<hbm>>
      %dma_start3A_17 = tpu.memref_squeeze %dma_start3A_16 : memref<1x79x128xi32, #tpu.memory_space<hbm>> -> memref<79x128xi32, #tpu.memory_space<hbm>>
      %dma_start3A_18 = arith.constant 0 : i32
      %dma_start3A_19 = arith.constant 0 : i32
      %dma_start3A_20 = tpu.memref_slice %arg4[%add3A, %dma_start3A_18, %dma_start3A_19] : memref<32x79x128xi32, #tpu.memory_space<hbm>> -> memref<1x79x128xi32, #tpu.memory_space<hbm>>
      %dma_start3A_21 = tpu.memref_squeeze %dma_start3A_20 : memref<1x79x128xi32, #tpu.memory_space<hbm>> -> memref<79x128xi32, #tpu.memory_space<hbm>>
      tpu.enqueue_dma source(%dma_start3A_21 : memref<79x128xi32, #tpu.memory_space<hbm>>) target(%arg8 : memref<79x128xi32, #tpu.memory_space<vmem>>) target_semaphore(%run_scoped3A : memref<!tpu.dma_semaphore, #tpu.memory_space<semaphore_mem>>)
      %dma_wait3A = arith.constant 0 : i32
      %dma_wait3A_22 = arith.constant 0 : i32
      %dma_wait3A_23 = tpu.memref_slice %arg4[%add3A, %dma_wait3A, %dma_wait3A_22] : memref<32x79x128xi32, #tpu.memory_space<hbm>> -> memref<1x79x128xi32, #tpu.memory_space<hbm>>
      %dma_wait3A_24 = tpu.memref_squeeze %dma_wait3A_23 : memref<1x79x128xi32, #tpu.memory_space<hbm>> -> memref<79x128xi32, #tpu.memory_space<hbm>>
      %dma_wait3A_25 = arith.constant 0 : i32
      %dma_wait3A_26 = arith.constant 0 : i32
      %dma_wait3A_27 = tpu.memref_slice %arg4[%add3A, %dma_wait3A_25, %dma_wait3A_26] : memref<32x79x128xi32, #tpu.memory_space<hbm>> -> memref<1x79x128xi32, #tpu.memory_space<hbm>>
      %dma_wait3A_28 = tpu.memref_squeeze %dma_wait3A_27 : memref<1x79x128xi32, #tpu.memory_space<hbm>> -> memref<79x128xi32, #tpu.memory_space<hbm>>
      tpu.wait_dma2 semaphore(%run_scoped3A : memref<!tpu.dma_semaphore, #tpu.memory_space<semaphore_mem>>) src(%dma_wait3A_28 : memref<79x128xi32, #tpu.memory_space<hbm>>) dst(%arg8 : memref<79x128xi32, #tpu.memory_space<vmem>>)
      tpu.yield
    }) : () -> ()
    %barrier3A = arith.constant 0 : index
    tpu.barrier barrier_id(%barrier3A)
    %scan3A = arith.constant 0 : i32
    %scan3A_5 = arith.constant 0 : i32
    %scan3A_6 = arith.constant 79 : i32
    %scan3A_7 = arith.addi %scan3A_5, %scan3A_6 : i32
    %scan3A_8 = arith.constant 1 : i32
    scf.for %scan3A_15 = %scan3A_5 to %scan3A_7 step %scan3A_8  : i32 {
      %dma_start3A = arith.constant 0 : i32
      %dma_start3A_16 = tpu.memref_slice %arg7[%scan3A_15, %dma_start3A] : memref<79x128xi32, #tpu.memory_space<vmem>> -> memref<1x128xi32, #tpu.memory_space<vmem>>
      %dma_start3A_17 = tpu.memref_squeeze %dma_start3A_16 : memref<1x128xi32, #tpu.memory_space<vmem>> -> memref<128xi32, #tpu.memory_space<vmem>>
      %dma_start3A_18 = arith.constant 0 : i32
      %dma_start3A_19 = arith.constant 0 : i32
      %dma_start3A_20 = tpu.memref_slice %arg2[%dma_start3A_18, %dma_start3A_19] : memref<10000x128xf32, #tpu.memory_space<hbm>> -> memref<10000x128xf32, #tpu.memory_space<hbm>>
      tpu.enqueue_indirect_dma source(%dma_start3A_20 : memref<10000x128xf32, #tpu.memory_space<hbm>>) target(%arg9 : memref<128x128xf32, #tpu.memory_space<vmem>>) offsets(%dma_start3A_17 : memref<128xi32, #tpu.memory_space<vmem>>) semaphore(%arg11 : memref<!tpu.dma_semaphore, #tpu.memory_space<semaphore_mem>>)
      %dma_wait3A = arith.constant 0 : i32
      %dma_wait3A_21 = tpu.memref_slice %arg7[%scan3A_15, %dma_wait3A] : memref<79x128xi32, #tpu.memory_space<vmem>> -> memref<1x128xi32, #tpu.memory_space<vmem>>
      %dma_wait3A_22 = tpu.memref_squeeze %dma_wait3A_21 : memref<1x128xi32, #tpu.memory_space<vmem>> -> memref<128xi32, #tpu.memory_space<vmem>>
      %dma_wait3A_23 = arith.constant 0 : i32
      %dma_wait3A_24 = arith.constant 0 : i32
      %dma_wait3A_25 = tpu.memref_slice %arg2[%dma_wait3A_23, %dma_wait3A_24] : memref<10000x128xf32, #tpu.memory_space<hbm>> -> memref<10000x128xf32, #tpu.memory_space<hbm>>
      tpu.wait_indirect_dma semaphore(%arg11 : memref<!tpu.dma_semaphore, #tpu.memory_space<semaphore_mem>>) src(%dma_wait3A_25 : memref<10000x128xf32, #tpu.memory_space<hbm>>) dst(%arg9 : memref<128x128xf32, #tpu.memory_space<vmem>>)
      "tpu.region"() ({
        %run_scoped3A = tpu.sem_alloc : memref<!tpu.dma_semaphore, #tpu.memory_space<semaphore_mem>>
        %dma_start3A_26 = arith.constant 0 : i32
        %dma_start3A_27 = tpu.memref_slice %arg8[%scan3A_15, %dma_start3A_26] : memref<79x128xi32, #tpu.memory_space<vmem>> -> memref<1x128xi32, #tpu.memory_space<vmem>>
        %dma_start3A_28 = tpu.memref_squeeze %dma_start3A_27 : memref<1x128xi32, #tpu.memory_space<vmem>> -> memref<128xi32, #tpu.memory_space<vmem>>
        %dma_start3A_29 = arith.constant 0 : i32
        %dma_start3A_30 = arith.constant 0 : i32
        %dma_start3A_31 = tpu.memref_slice %arg10[%dma_start3A_29, %dma_start3A_30] : memref<10112x128xf32, #tpu.memory_space<vmem_shared>> -> memref<10112x128xf32, #tpu.memory_space<vmem_shared>>
        tpu.enqueue_indirect_dma source(%arg9 : memref<128x128xf32, #tpu.memory_space<vmem>>) target(%dma_start3A_31 : memref<10112x128xf32, #tpu.memory_space<vmem_shared>>) offsets(%dma_start3A_28 : memref<128xi32, #tpu.memory_space<vmem>>) semaphore(%run_scoped3A : memref<!tpu.dma_semaphore, #tpu.memory_space<semaphore_mem>>) {add = true}
        %dma_wait3A_32 = arith.constant 0 : i32
        %dma_wait3A_33 = tpu.memref_slice %arg8[%scan3A_15, %dma_wait3A_32] : memref<79x128xi32, #tpu.memory_space<vmem>> -> memref<1x128xi32, #tpu.memory_space<vmem>>
        %dma_wait3A_34 = tpu.memref_squeeze %dma_wait3A_33 : memref<1x128xi32, #tpu.memory_space<vmem>> -> memref<128xi32, #tpu.memory_space<vmem>>
        %dma_wait3A_35 = arith.constant 0 : i32
        %dma_wait3A_36 = arith.constant 0 : i32
        %dma_wait3A_37 = tpu.memref_slice %arg10[%dma_wait3A_35, %dma_wait3A_36] : memref<10112x128xf32, #tpu.memory_space<vmem_shared>> -> memref<10112x128xf32, #tpu.memory_space<vmem_shared>>
        tpu.wait_indirect_dma semaphore(%run_scoped3A : memref<!tpu.dma_semaphore, #tpu.memory_space<semaphore_mem>>) src(%arg9 : memref<128x128xf32, #tpu.memory_space<vmem>>) dst(%dma_wait3A_37 : memref<10112x128xf32, #tpu.memory_space<vmem_shared>>)
        tpu.yield
      }) : () -> ()
    }
    %scan3A_9 = arith.constant 79 : i32
    %barrier3A_10 = arith.constant 0 : index
    tpu.barrier barrier_id(%barrier3A_10)
    %mul3A_11 = arith.constant 632 : i32
    %mul3A_12 = arith.muli %arg1, %mul3A_11 : i32
    %mul3A_13 = arith.constant 632 : i32
    %mul3A_14 = arith.muli %arg1, %mul3A_13 : i32
    "tpu.region"() ({
      %run_scoped3A = tpu.sem_alloc : memref<!tpu.dma_semaphore, #tpu.memory_space<semaphore_mem>>
      %dma_start3A = arith.constant 0 : i32
      %dma_start3A_15 = tpu.memref_slice %arg6[%arg0, %mul3A_14, %dma_start3A] : memref<2x10112x128xf32, #tpu.memory_space<hbm>> -> memref<1x632x128xf32, #tpu.memory_space<hbm>>
      %dma_start3A_16 = tpu.memref_squeeze %dma_start3A_15 : memref<1x632x128xf32, #tpu.memory_space<hbm>> -> memref<632x128xf32, #tpu.memory_space<hbm>>
      %dma_start3A_17 = arith.constant 0 : i32
      %dma_start3A_18 = tpu.memref_slice %arg10[%mul3A_12, %dma_start3A_17] : memref<10112x128xf32, #tpu.memory_space<vmem_shared>> -> memref<632x128xf32, #tpu.memory_space<vmem_shared>>
      tpu.enqueue_dma source(%dma_start3A_18 : memref<632x128xf32, #tpu.memory_space<vmem_shared>>) target(%dma_start3A_16 : memref<632x128xf32, #tpu.memory_space<hbm>>) target_semaphore(%run_scoped3A : memref<!tpu.dma_semaphore, #tpu.memory_space<semaphore_mem>>)
      %dma_wait3A = arith.constant 0 : i32
      %dma_wait3A_19 = tpu.memref_slice %arg6[%arg0, %mul3A_14, %dma_wait3A] : memref<2x10112x128xf32, #tpu.memory_space<hbm>> -> memref<1x632x128xf32, #tpu.memory_space<hbm>>
      %dma_wait3A_20 = tpu.memref_squeeze %dma_wait3A_19 : memref<1x632x128xf32, #tpu.memory_space<hbm>> -> memref<632x128xf32, #tpu.memory_space<hbm>>
      %dma_wait3A_21 = arith.constant 0 : i32
      %dma_wait3A_22 = tpu.memref_slice %arg10[%mul3A_12, %dma_wait3A_21] : memref<10112x128xf32, #tpu.memory_space<vmem_shared>> -> memref<632x128xf32, #tpu.memory_space<vmem_shared>>
      tpu.wait_dma2 semaphore(%run_scoped3A : memref<!tpu.dma_semaphore, #tpu.memory_space<semaphore_mem>>) src(%dma_wait3A_22 : memref<632x128xf32, #tpu.memory_space<vmem_shared>>) dst(%dma_wait3A_20 : memref<632x128xf32, #tpu.memory_space<hbm>>)
      tpu.yield
    }) : () -> ()
    return
  }
}

module attributes {stable_mosaic.version = 14 : i64} {
  func.func @_z_body(%arg0: i32, %arg1: memref<2x10000x128xf32, #tpu.memory_space<vmem>>, %arg2: memref<10000x128xf32, #tpu.memory_space<vmem>>, %arg3: memref<128x64xf32, #tpu.memory_space<vmem>>, %arg4: memref<1x64xf32, #tpu.memory_space<vmem>>, %arg5: memref<128x64xf32, #tpu.memory_space<vmem>>, %arg6: memref<10000x64xf32, #tpu.memory_space<vmem>>) attributes {dimension_semantics = [#tpu.dimension_semantics<arbitrary>], iteration_bounds = array<i64: 1>, scalar_prefetch = 0 : i64, scratch_operands = 0 : i64, tpu.core_type = #tpu.core_type<tc>, window_params = [{transform_indices = @transform_0, window_bounds = array<i64: 2, 10000, 128>}, {pipeline_mode = #tpu.pipeline_mode<synchronous>, transform_indices = @transform_1, window_bounds = array<i64: 10000, 128>}, {pipeline_mode = #tpu.pipeline_mode<synchronous>, transform_indices = @transform_2, window_bounds = array<i64: 128, 64>}, {pipeline_mode = #tpu.pipeline_mode<synchronous>, transform_indices = @transform_3, window_bounds = array<i64: 1, 64>}, {pipeline_mode = #tpu.pipeline_mode<synchronous>, transform_indices = @transform_4, window_bounds = array<i64: 128, 64>}, {pipeline_mode = #tpu.pipeline_mode<synchronous>, transform_indices = @transform_5, window_bounds = array<i64: 10000, 64>}]} {
    %get3A = arith.constant 0 : index
    %get3A_0 = arith.constant 0 : index
    %get3A_1 = arith.constant 0 : index
    %get3A_2 = vector.load %arg1[%get3A, %get3A_0, %get3A_1] : memref<2x10000x128xf32, #tpu.memory_space<vmem>>, vector<1x10000x128xf32>
    %get3A_3 = vector.shape_cast %get3A_2 : vector<1x10000x128xf32> to vector<10000x128xf32>
    %get3A_4 = arith.constant 1 : index
    %get3A_5 = arith.constant 0 : index
    %get3A_6 = arith.constant 0 : index
    %get3A_7 = vector.load %arg1[%get3A_4, %get3A_5, %get3A_6] : memref<2x10000x128xf32, #tpu.memory_space<vmem>>, vector<1x10000x128xf32>
    %get3A_8 = vector.shape_cast %get3A_7 : vector<1x10000x128xf32> to vector<10000x128xf32>
    %add3A = arith.addf %get3A_3, %get3A_8 : vector<10000x128xf32>
    %get3A_9 = arith.constant 0 : index
    %get3A_10 = arith.constant 0 : index
    %get3A_11 = vector.load %arg3[%get3A_9, %get3A_10] : memref<128x64xf32, #tpu.memory_space<vmem>>, vector<128x64xf32>
    %dot_general3A = arith.constant dense<0.000000e+00> : vector<10000x64xf32>
    %dot_general3A_12 = tpu.matmul %add3A, %get3A_11, %dot_general3A {dimension_numbers = #tpu.dot_dimension_numbers<[1], [0], [0], [1], [0, 0, 1, 1], [], []>, transpose_lhs_hint = false} : vector<10000x128xf32>, vector<128x64xf32>, vector<10000x64xf32> -> vector<10000x64xf32>
    %get3A_13 = arith.constant 0 : index
    %get3A_14 = arith.constant 0 : index
    %get3A_15 = vector.load %arg2[%get3A_13, %get3A_14] : memref<10000x128xf32, #tpu.memory_space<vmem>>, vector<10000x128xf32>
    %get3A_16 = arith.constant 0 : index
    %get3A_17 = arith.constant 0 : index
    %get3A_18 = vector.load %arg5[%get3A_16, %get3A_17] : memref<128x64xf32, #tpu.memory_space<vmem>>, vector<128x64xf32>
    %dot_general3A_19 = arith.constant dense<0.000000e+00> : vector<10000x64xf32>
    %dot_general3A_20 = tpu.matmul %get3A_15, %get3A_18, %dot_general3A_19 {dimension_numbers = #tpu.dot_dimension_numbers<[1], [0], [0], [1], [0, 0, 1, 1], [], []>, transpose_lhs_hint = false} : vector<10000x128xf32>, vector<128x64xf32>, vector<10000x64xf32> -> vector<10000x64xf32>
    %add3A_21 = arith.addf %dot_general3A_12, %dot_general3A_20 : vector<10000x64xf32>
    %get3A_22 = arith.constant 0 : index
    %get3A_23 = arith.constant 0 : index
    %get3A_24 = vector.load %arg4[%get3A_22, %get3A_23] : memref<1x64xf32, #tpu.memory_space<vmem>>, vector<1x64xf32>
    %add3A_25 = vector.broadcast %get3A_24 : vector<1x64xf32> to vector<10000x64xf32>
    %add3A_26 = arith.addf %add3A_21, %add3A_25 : vector<10000x64xf32>
    %swap3A = arith.constant 0 : index
    %swap3A_27 = arith.constant 0 : index
    %swap3A_28 = vector.load %arg6[%swap3A, %swap3A_27] : memref<10000x64xf32, #tpu.memory_space<vmem>>, vector<10000x64xf32>
    tpu.vector_store %arg6[%swap3A, %swap3A_27], %add3A_26 {strides = array<i32>} : memref<10000x64xf32, #tpu.memory_space<vmem>>, vector<10000x64xf32>,
    return
  }
  func.func @transform_0(%arg0: i32) -> (i32, i32, i32) {
    %c0_i32 = arith.constant 0 : i32
    %c0_i32_0 = arith.constant 0 : i32
    %c0_i32_1 = arith.constant 0 : i32
    %c0_i32_2 = arith.constant 0 : i32
    return %c0_i32, %c0_i32_0, %c0_i32_1 : i32, i32, i32
  }
  func.func @transform_1(%arg0: i32) -> (i32, i32) {
    %c0_i32 = arith.constant 0 : i32
    %c0_i32_0 = arith.constant 0 : i32
    %c0_i32_1 = arith.constant 0 : i32
    return %c0_i32, %c0_i32_0 : i32, i32
  }
  func.func @transform_2(%arg0: i32) -> (i32, i32) {
    %c0_i32 = arith.constant 0 : i32
    %c0_i32_0 = arith.constant 0 : i32
    %c0_i32_1 = arith.constant 0 : i32
    return %c0_i32, %c0_i32_0 : i32, i32
  }
  func.func @transform_3(%arg0: i32) -> (i32, i32) {
    %c0_i32 = arith.constant 0 : i32
    %c0_i32_0 = arith.constant 0 : i32
    %c0_i32_1 = arith.constant 0 : i32
    return %c0_i32, %c0_i32_0 : i32, i32
  }
  func.func @transform_4(%arg0: i32) -> (i32, i32) {
    %c0_i32 = arith.constant 0 : i32
    %c0_i32_0 = arith.constant 0 : i32
    %c0_i32_1 = arith.constant 0 : i32
    return %c0_i32, %c0_i32_0 : i32, i32
  }
  func.func @transform_5(%arg0: i32) -> (i32, i32) {
    %c0_i32 = arith.constant 0 : i32
    %c0_i32_0 = arith.constant 0 : i32
    %c0_i32_1 = arith.constant 0 : i32
    return %c0_i32, %c0_i32_0 : i32, i32
  }
}

module attributes {stable_mosaic.version = 14 : i64} {
  func.func @_dec_body(%arg0: i32, %arg1: memref<400x64xf32, #tpu.memory_space<vmem>>, %arg2: memref<10000x64xf32, #tpu.memory_space<vmem>>, %arg3: memref<400x10000xf32, #tpu.memory_space<vmem>>) attributes {dimension_semantics = [#tpu.dimension_semantics<arbitrary>], iteration_bounds = array<i64: 25>, scalar_prefetch = 0 : i64, scratch_operands = 0 : i64, tpu.core_type = #tpu.core_type<tc>, window_params = [{transform_indices = @transform_0, window_bounds = array<i64: 400, 64>}, {pipeline_mode = #tpu.pipeline_mode<synchronous>, transform_indices = @transform_1, window_bounds = array<i64: 10000, 64>}, {transform_indices = @transform_2, window_bounds = array<i64: 400, 10000>}]} {
    %get3A = arith.constant 0 : index
    %get3A_0 = arith.constant 0 : index
    %get3A_1 = vector.load %arg1[%get3A, %get3A_0] : memref<400x64xf32, #tpu.memory_space<vmem>>, vector<400x64xf32>
    %get3A_2 = arith.constant 0 : index
    %get3A_3 = arith.constant 0 : index
    %get3A_4 = vector.load %arg2[%get3A_2, %get3A_3] : memref<10000x64xf32, #tpu.memory_space<vmem>>, vector<10000x64xf32>
    %dot_general3A = arith.constant dense<0.000000e+00> : vector<400x10000xf32>
    %dot_general3A_5 = tpu.matmul %get3A_1, %get3A_4, %dot_general3A {dimension_numbers = #tpu.dot_dimension_numbers<[1], [1], [0], [0], [0, 0, 1, 0], [], []>, transpose_lhs_hint = false} : vector<400x64xf32>, vector<10000x64xf32>, vector<400x10000xf32> -> vector<400x10000xf32>
    %logistic3A = arith.negf %dot_general3A_5 : vector<400x10000xf32>
    %logistic3A_6 = math.exp %logistic3A : vector<400x10000xf32>
    %logistic3A_7 = arith.constant 1.000000e+00 : f32
    %logistic3A_8 = vector.broadcast %logistic3A_7 : f32 to vector<400x10000xf32>
    %logistic3A_9 = arith.addf %logistic3A_8, %logistic3A_6 : vector<400x10000xf32>
    %logistic3A_10 = arith.divf %logistic3A_8, %logistic3A_9 : vector<400x10000xf32>
    %swap3A = arith.constant 0 : index
    %swap3A_11 = arith.constant 0 : index
    %swap3A_12 = vector.load %arg3[%swap3A, %swap3A_11] : memref<400x10000xf32, #tpu.memory_space<vmem>>, vector<400x10000xf32>
    tpu.vector_store %arg3[%swap3A, %swap3A_11], %logistic3A_10 {strides = array<i32>} : memref<400x10000xf32, #tpu.memory_space<vmem>>, vector<400x10000xf32>,
    return
  }
  func.func @transform_0(%arg0: i32) -> (i32, i32) {
    %c0_i32 = arith.constant 0 : i32
    %c0_i32_0 = arith.constant 0 : i32
    return %arg0, %c0_i32 : i32, i32
  }
  func.func @transform_1(%arg0: i32) -> (i32, i32) {
    %c0_i32 = arith.constant 0 : i32
    %c0_i32_0 = arith.constant 0 : i32
    %c0_i32_1 = arith.constant 0 : i32
    return %c0_i32, %c0_i32_0 : i32, i32
  }
  func.func @transform_2(%arg0: i32) -> (i32, i32) {
    %c0_i32 = arith.constant 0 : i32
    %c0_i32_0 = arith.constant 0 : i32
    return %arg0, %c0_i32 : i32, i32
  }
}

</mosaic_0001>

<sc_bundles>
// kernel: kernel.5.cloned.1.call-start
scs
__scs_entry_jumppad:
0x0: {  	(pc) =	sbr.rel $0x88, $3  }
0x1: {  	(tag) =	ssettag $0x0;
	lr =	simm.s32 $0x1  }
0x2: {  	[smem:$0x3F9C] =	sst lr;
	_ =	strace $0xD0000000  }
0x3: {  	_ = 	snop  }
0x4: {  	_ = 	snop  }
0x5: {  	_ = 	snop  }
0x6: {  	_ = 	snop  }
0x7: {  	_ = 	snop  }
__scs_overlays_trampoline_lowered:
0x8: {  	[smem:$0x3FAB] =	sst s0  }
0x9: {  	[smem:$0x3FAC] =	sst s1  }
0xa: {  	[smem:$0x3FAD] =	sst s2  }
0xb: {  	[smem:$0x3FAE] =	sst s3  }
0xc: {  	[smem:$0x3FAF] =	sst s4  }
0xd: {  	[smem:$0x3FB0] =	sst s5  }
0xe: {  	[smem:$0x3FB1] =	sst s6  }
0xf: {  	[smem:$0x3FB2] =	sst s7  }
0x10: {  	[smem:$0x3FB3] =	sst s8  }
0x11: {  	[smem:$0x3FB4] =	sst s9;
	s0 =	simm.s32 @!p0 $0x0  }
0x12: {  	s1 =	sld [smem:$0x3F9A];
	s0 =	simm.s32 @p0 $0x1  }
0x13: {  	[smem:$0x3FB5] =	sst s0;
	s0 =	simm.s32 @!p1 $0x0  }
0x14: {  	s2 =	sld [smem:$0x3F99];
	s0 =	simm.s32 @p1 $0x1  }
0x15: {  	[smem:$0x3FB6] =	sst s0;
	s0 =	simm.s32 @!p2 $0x0  }
0x16: {  	s3 =	sld [smem:$0x3FDB];
	s0 =	simm.s32 @p2 $0x1  }
0x17: {  	s4 =	simm.s32 $0x1BF5;
	[smem:$0x3FB8] =	sst s0  }
0x18: {  	s0 =	sld [smem:$0x3F9B];
	_ =	swait.ge [sflag:s4], $0x0  }
0x19: {  	s7 =	sld [smem:$0x3F9C]  }
0x1a: {  	s8 =	sadd.s32 $0xFFFFE003, lr  }
0x1b: {  	s9 =	sadd.s32 $0xFFFFFEF7, lr;
	s5 =	simm.s32 $0xFFFFFFFF;
	p2 =	slt.u32 s8, $0xFFFFF086  }
0x1c: {  	p1 =	slt.u32 s9, $0xF7A;
	s5 =	simm.s32 @!p2 $0x0  }
0x1d: {  	s5 =	simm.s32 @p1 $0x1;
	p0 =	seq.s32 s7, s2  }
0x1e: {  	s7 =	smul.u32 @!p0 $0xF7A, s2;
	p2 =	seq.s32 @!p0 s5, $0x0  }
0x1f: {  	s9 =	smul.u32 $0xF7A, s1;
	s8 =	simm.s32 @!p0 $0x1BF5;
	p2 =	por !p2, p0  }
0x20: {  	[sflag:s8] =	ssyncset.s32 @!p0 $0xFFFFF086;
	s6 =	sadd.s32 @!p0 s3, s7;
	s7 =	simm.s32 @!p0 $0x108  }
0x21: {  	s3 =	sadd.s32 s3, s9;
	s6 =	sadd.s32 @!p0 $0x88, s6;
	s7 =	simm.s32 @p2 $0x1082  }
0x22: {  	[simem:s7], [sflag:s8] =	dma.local @!p0 [hbm:s6], $0xF7A  }
0x23: {  	s9 =	sor.u32 $0xD0000000, s2;
	s6 =	simm.s32 $0x108;
	_ =	swait.ge @!p0 [sflag:s8], $0x0  }
0x24: {  	s3 =	sadd.s32 $0x88, s3;
	s6 =	simm.s32 @!p1 $0x1082;
	[sflag:s4] =	ssyncset.s32 $0xFFFFF086  }
0x25: {  	[simem:s6], [sflag:s4] =	dma.local [hbm:s3], $0xF7A  }
0x26: {  	[smem:$0x3F9C] =	sst s1;
	(tag) =	ssettag s2;
	_ =	strace s9  }
0x27: {  	s1 =	sld [smem:$0x3FAC]  }
0x28: {  	s2 =	sld [smem:$0x3FAD]  }
0x29: {  	s4 =	sld [smem:$0x3FAF]  }
0x2a: {  	p0 =	seq.s32 s5, $0x0;
	s5 =	sld [smem:$0x3FB0]  }
0x2b: {  	s6 =	sld [smem:$0x3FB1]  }
0x2c: {  	s7 =	sld [smem:$0x3FB2]  }
0x2d: {  	s3 =	simm.s32 $0x108;
	s8 =	sld [smem:$0x3FB3]  }
0x2e: {  	s3 =	simm.s32 @!p0 $0x1082;
	s9 =	sld [smem:$0x3FB4]  }
0x2f: {  	lr =	sadd.s32 s0, s3;
	s0 =	sld [smem:$0x3FAB]  }
0x30: {  	s3 =	sld [smem:$0x3FAE]  }
0x31: {  	[smem:$0x3FB7] =	sst s10  }
0x32: {  	s10 =	sld [smem:$0x3FB5];
	_ =	sdelay $0x3  }
0x33: {  	p0 =	seq.s32 s10, $0x1;
	s10 =	sld [smem:$0x3FB7];
	_ =	sdelay $0x3  }
0x34: {  	[smem:$0x3FB7] =	sst s10  }
0x35: {  	s10 =	sld [smem:$0x3FB6];
	_ =	sdelay $0x3  }
0x36: {  	p1 =	seq.s32 s10, $0x1;
	s10 =	sld [smem:$0x3FB7];
	_ =	sdelay $0x3  }
0x37: {  	[smem:$0x3FB7] =	sst s10  }
0x38: {  	s10 =	sld [smem:$0x3FB8]  }
0x39: {  	_ = 	snop;
	(pc) =	sbr.ind lr, $3  }
0x3a: {  	_ = 	snop  }
0x3b: {  	_ = 	snop  }
0x3c: {  	p2 =	seq.s32 s10, $0x1;
	s10 =	sld [smem:$0x3FB7]  }
0x3d: {  	_ =	shalt  }
0x3e: {  	_ =	shalt  }
0x3f: {  	_ =	shalt  }
0x40: {  	_ =	shalt  }
0x41: {  	_ =	shalt  }
0x42: {  	_ =	shalt  }
0x43: {  	_ =	shalt  }
0x44: {  	_ =	shalt  }
0x45: {  	_ =	shalt  }
0x46: {  	_ =	shalt  }
0x47: {  	_ =	shalt  }
0x48: {  	_ =	shalt  }
0x49: {  	_ =	shalt  }
0x4a: {  	_ =	shalt  }
0x4b: {  	_ =	shalt  }
0x4c: {  	_ =	shalt  }
0x4d: {  	_ =	shalt  }
0x4e: {  	_ =	shalt  }
0x4f: {  	_ =	shalt  }
0x50: {  	_ =	shalt  }
0x51: {  	_ =	shalt  }
0x52: {  	_ =	shalt  }
0x53: {  	_ =	shalt  }
0x54: {  	_ =	shalt  }
0x55: {  	_ =	shalt  }
0x56: {  	_ =	shalt  }
0x57: {  	_ =	shalt  }
0x58: {  	_ =	shalt  }
0x59: {  	_ =	shalt  }
0x5a: {  	_ =	shalt  }
0x5b: {  	_ =	shalt  }
0x5c: {  	_ =	shalt  }
0x5d: {  	_ =	shalt  }
0x5e: {  	_ =	shalt  }
0x5f: {  	_ =	shalt  }
0x60: {  	_ =	shalt  }
0x61: {  	_ =	shalt  }
0x62: {  	_ =	shalt  }
0x63: {  	_ =	shalt  }
0x64: {  	_ =	shalt  }
0x65: {  	_ =	shalt  }
0x66: {  	_ =	shalt  }
0x67: {  	_ =	shalt  }
0x68: {  	_ =	shalt  }
0x69: {  	_ =	shalt  }
0x6a: {  	_ =	shalt  }
0x6b: {  	_ =	shalt  }
0x6c: {  	_ =	shalt  }
0x6d: {  	_ =	shalt  }
0x6e: {  	_ =	shalt  }
0x6f: {  	_ =	shalt  }
0x70: {  	_ =	shalt  }
0x71: {  	_ =	shalt  }
0x72: {  	_ =	shalt  }
0x73: {  	_ =	shalt  }
0x74: {  	_ =	shalt  }
0x75: {  	_ =	shalt  }
0x76: {  	_ =	shalt  }
0x77: {  	_ =	shalt  }
0x78: {  	_ =	shalt  }
0x79: {  	_ =	shalt  }
0x7a: {  	_ =	shalt  }
0x7b: {  	_ =	shalt  }
0x7c: {  	_ =	shalt  }
0x7d: {  	_ =	shalt  }
0x7e: {  	_ =	shalt  }
0x7f: {  	_ =	shalt  }
0x80: {  	_ =	shalt  }
0x81: {  	_ =	shalt  }
0x82: {  	_ =	shalt  }
0x83: {  	_ =	shalt  }
0x84: {  	_ =	shalt  }
0x85: {  	_ =	shalt  }
0x86: {  	_ =	shalt  }
0x87: {  	_ =	shalt  }
.Lfunc_end0:
.L_simem_size_0:
called_computation_lowered:
.L_overlay_start_0:
0x88: {  	s2 =	sld [smem:$0x3FD9]  }
0x89: {  	s3 =	sld [smem:$0x3FFE];
	_ =	sdelay $0x1  }
0x8a: {  	s1 =	srdreg.scid  }
0x8b: {  	s0 =	sand.u32 $0x1, s1  }
0x8c: {  	s14 =	sshll.u32 s0, $0xA;
	s2 =	sadd.s32 s3, s2  }
0x8d: {  	s2 =	sadd.s32 s2, s14  }
0x8e: {  	[smem:$0x3FC3] =	sst s2  }
0x8f: {  	_ = 	snop  }
0x90: {  	s2 =	sld [smem:$0x3FD0];
	_ =	sdelay $0x2  }
0x91: {  	s4 =	simm.s32 $0xA;
	s5 =	simm.s32 $0x10;
	s15 =	sld [smem:$0x3FC9]  }
0x92: {  	[smem:s5], [sflag:s4] =	dma.local [hbm:s2], $0x1  }
0x93: {  	_ =	swait.eq [sflag:s4], $0x1  }
0x94: {  	[sflag:s4] =	ssyncset.done $0x0  }
0x95: {  	s16 =	sld [smem:$0x10];
	[sflag:s4] =	ssyncadd.s32 $0xFFFFFFFF  }
0x96: {  	s17 =	sld [smem:$0x11];
	(tm) =	ssettm $0x1  }
0x97: {  	s18 =	sld [smem:$0x3FFB];
	_ =	sdelay $0x3  }
0x98: {  	_ =	strace s18  }
0x99: {  	s5 =	sld [smem:$0x3FFC];
	_ =	sdelay $0x3  }
0x9a: {  	_ =	strace s5  }
0x9b: {  	s5 =	sld [smem:$0x3FFD];
	_ =	sdelay $0x3  }
0x9c: {  	_ =	strace s5  }
0x9d: {  	_ =	strace $0x8FFFFFFF  }
0x9e: {  	s19 =	sld [smem:$0x3FDB];
	_ =	sdelay $0x1  }
0x9f: {  	s6 =	simm.s32 $_scs_section_size  }
0xa0: {  	s7 =	simm.s32 $_size__tile_overlayer_lowered;
	s8 =	simm.s32 $_tile_overlayer_lowered  }
0xa1: {  	s22 =	simm.s32 $0x1BFF;
	s21 =	sshll.u32 s8, $0x1;
	s5 =	sadd.s32 s6, s19  }
0xa2: {  	s9 =	simm.s32 $0x0;
	s20 =	sshll.u32 s7, $0x1;
	s7 =	sadd.s32 s21, s5  }
0xa3: {  	[timem:s9], [sflag:s22] =	dma.local [hbm:s7], s20  }
0xa4: {  	_ =	swait.ge [sflag:s22], s20  }
0xa5: {  	s6 =	ssub.s32 $0x0, s20;
	[sflag:s22] =	ssyncset.done $0x0  }
0xa6: {  	[sflag:s22] =	ssyncadd.s32 s6;
	_ =	sdelay $0x1  }
0xa7: {  	s23 =	simm.s32 $0x1B8B  }
0xa8: {  	_ =	swait.ge [sflag:s23], $0x1  }
0xa9: {  	[sflag:s23] =	ssyncset.done $0x0  }
0xaa: {  	s25 =	simm.s32 $0x1B8E;
	s24 =	sld [smem:$0x3FFE];
	[sflag:s23] =	ssyncadd.s32 $0xFFFFFFFF  }
0xab: {  	s26 =	simm.s32 $execute0_lowered;
	[smem:$0x3FD2] =	sst s25  }
0xac: {  	s7 =	sshll.u32 s26, $0x1;
	_ =	strace $0x80000046;
	[dreg:$0x1] =	wrdreg $0xFFFFFFFF  }
0xad: {  	s28 =	simm.s32 $_size_execute0_lowered;
	s5 =	sadd.s32 s5, s7;
	[dreg:$0x0] =	wrdreg $0x0  }
0xae: {  	s7 =	sshll.u32 s28, $0x1;
	[dreg:$0x2] =	wrdreg s5  }
0xaf: {  	[dreg:$0x3] =	wrdreg s7  }
0xb0: {  	[dreg:$0x4] =	wrdreg $0xC0  }
0xb1: {  	_ =	task [dreg:s9], $0x5FFFF  }
0xb2: {  	[dreg:$0x1] =	wrdreg $0xFFFFFFFF  }
0xb3: {  	[dreg:$0x0] =	wrdreg $0x60  }
0xb4: {  	[dreg:$0x2] =	wrdreg s15  }
0xb5: {  	[dreg:$0x3] =	wrdreg s17  }
0xb6: {  	[dreg:$0x4] =	wrdreg s24  }
0xb7: {  	[dreg:$0x5] =	wrdreg s16  }
0xb8: {  	[dreg:$0x6] =	wrdreg $0x90000  }
0xb9: {  	[dreg:$0x7] =	wrdreg $0x9  }
0xba: {  	_ =	task.clear_ibuf [dreg:s9], $0x8FFFF;
	_ =	strace $0x90000046  }
0xbb: {  	s29 =	simm.s32 $0x9;
	_ =	strace $0x80000048  }
0xbc: {  	_ =	swait.ge [sflag:s29], $0x1  }
0xbd: {  	[sflag:s29] =	ssyncadd.s32 $0xFFFFFFFF  }
0xbe: {  	_ =	strace $0x90000048  }
0xbf: {  	_ =	sfence  }
0xc0: {  	s30 =	sld [smem:$0x0];
	_ =	sdelay $0x2  }
0xc1: {  	s31 =	sshll.u32 s1, $0xD;
	s1 =	sshrl.u32 s1, $0x2  }
0xc2: {  	s3 =	sand.u32 $0x4000, s31;
	s1 =	sadd.s32 s1, s30  }
0xc3: {  	s0 =	sor.u32 s3, s0;
	s1 =	sshll.u32 s1, $0x11  }
0xc4: {  	s0 =	sor.u32 s1, s0  }
0xc5: {  	s0 =	sadd.s32 $0x8F2B, s0  }
0xc6: {  	[sflag:s0] =	ssyncadd.remote.s32 $0x1  }
0xc7: {  	_ =	sfence.sel $0xFFFF  }
0xc8: {  	[dreg:$0x0] =	wrdreg $0xFFFFFFFF;
	(pc) =	sbr.abs _section_cstart, $3  }
0xc9: {  	[dreg:$0x1] =	wrdreg $0xFFFFFFFF  }
0xca: {  	_ =	task.clear_ibuf [dreg:s9], $0x2FFFF;
	_ =	strace $0x9FFFFFFF  }
0xcb: {  	(tm) =	ssettm $0x7FFFFFFF  }
tec
execute0_lowered:
.L_overlay_start_1:
0x0: {  	(tag) =	ssettag $0x1  }
0x1: {  	s0 =	rddreg [dreg:$0x0]  }
0x2: {  	s7 =	rddreg [dreg:$0x1]  }
0x3: {  	s5 =	rddreg [dreg:$0x2]  }
0x4: {  	s9 =	rddreg [dreg:$0x3]  }
0x5: {  	s1 =	srdreg.scid;
	s3 =	rddreg [dreg:$0x4]  }
0x6: {  	s2 =	stileid.u32;
	s4 =	simm.s32 $0x0;
	s16 =	simm.s32 $0x1  }
0x7: {  	s6 =	sand.u32 $0x1, s1;
	s1 =	rddreg [dreg:$0x5];
	s10 =	smul.u32 $0x13C00, s2  }
0x8: {  	s17 =	simm.s32 $0x0;
	[smem:$0x7FF] =	sst s4;
	s12 =	smul.u32 $0x4F000, s2  }
0x9: {  	s31 =	sshll.u32 s2, $0x6;
	s8 =	sshll.u32 s6, $0x4;
	_ =	strace $0x80000047  }
0xa: {  	s30 =	ssub.s32 $0x2, s6;
	s15 =	smul.u32 $0x13C000, s6;
	s6 =	sor.u32 $0x1C02, s31  }
0xb: {  	s8 =	sor.u32 s2, s8;
	s11 =	sshrl.u32 s10, $0x3;
	s14 =	sshrl.u32 s30, $0x1  }
0xc: {  	s12 =	sshrl.u32 s12, $0x2;
	s8 =	smul.u32 $0x500, s8;
	s10 =	sadd.s32 s10, s15  }
0xd: {  	s12 =	sadd.s32 s12, s3;
	s15 =	simm.s32 $0x5000;
	s10 =	sshrl.u32 s10, $0x3  }
0xe: {  	s13 =	sadd.s32 s8, s5;
	s5 =	sadd.s32 s11, s5;
	s11 =	ssub.s32 s30, s14  }
0xf: {  	s7 =	sadd.s32 s7, s8;
	s9 =	sadd.s32 s9, s10;
	s14 =	simm.s32 $0x80  }
0x10: {  	s5 =	sadd.s32 $0xAC00, s5;
	s8 =	sadd.s32 $0xC00, s13;
	s10 =	smax.u32 s11, $0x1  }
0x11: {  	s11 =	sshrl.u32 s12, $0x3;
	s12 =	simm.s32 $0x2;
	s13 =	simm.s32 $0x2800  }
.LBB2_1:
0x12: {  	[spmem:s11], [sflag:s6] =	dma.local [hbm:s5], $0x2780  }
0x13: {  	_ =	swait.ge [sflag:s12], $0x2780  }
0x14: {  	[sflag:s12] =	ssyncset.done $0x0  }
0x15: {  	[sflag:s12] =	ssyncadd.s32 $0xFFFFD880  }
0x16: {  	[tilespmem:s4], [sflag:$0x2] =	stream.linear.gather [hbm4b:s7+s4], $0x2780, $0x38;
	[tilespmem:$0x1CC00] =	vst v63  }
0x17: {  	_ =	swait.ge [sflag:s12], $0x2780  }
0x18: {  	[sflag:s12] =	ssyncset.done $0x0  }
0x19: {  	[sflag:s12] =	ssyncadd.s32 $0xFFFFD880  }
0x1a: {  	[tilespmem:s13], [sflag:$0x2] =	stream.linear.gather [hbm4b:s8+s4], $0x2780, $0x38;
	[tilespmem:$0x1CC00] =	vst v63  }
0x1b: {  	_ =	swait.ge [sflag:s12], $0x2780  }
0x1c: {  	[sflag:s12] =	ssyncset.done $0x0  }
0x1d: {  	[sflag:s12] =	ssyncadd.s32 $0xFFFFD880  }
0x1e: {  	s18 =	simm.s32 $0x0;
	[bflag:$0x0] =	sbarrier.arrive $0xFFFF  }
0x1f: {  	[tilespmem:s15], [sflag:$0x1] =	stream.indirect.gather [hbm4b:s0+s14], $0x80, s18, s14, $0xb8;
	[tilespmem:$0x1CC00] =	vst v63  }
0x20: {  	_ =	swait.ge [sflag:s16], $0x4000  }
0x21: {  	[sflag:s16] =	ssyncset.done $0x0  }
0x22: {  	s31 =	simm.s32 $0x2800;
	[sflag:s16] =	ssyncadd.s32 $0xFFFFC000  }
0x23: {  	[spmem:s3] =	stream.indirect.scatter.add.f32 [tilespmem:s15], [sflag:$0x2], $0x80, s31, s14, $0xb8;
	[tilespmem:$0x1CC00] =	vst v63  }
0x24: {  	_ =	swait.ge [sflag:s12], $0x4000  }
0x25: {  	s19 =	simm.s32 $0x400;
	s18 =	simm.s32 $0x200;
	[sflag:s12] =	ssyncset.done $0x0  }
.LBB2_2:
0x26: {  	s20 =	sshra.s32 s18, $0x2  }
0x27: {  	[sflag:s12] =	ssyncadd.s32 $0xFFFFC000;
	s18 =	smov.u32 s19;
	s21 =	sadd.s32 $0x200, s19  }
0x28: {  	[tilespmem:s15], [sflag:$0x1] =	stream.indirect.gather [hbm4b:s0+s14], $0x80, s20, s14, $0xb8;
	[tilespmem:$0x1CC00] =	vst v63  }
0x29: {  	p0 =	sne.s32 s19, $0x9C00;
	_ =	swait.ge [sflag:s16], $0x4000  }
.Ltmp0:
0x2a: {  	[sflag:s16] =	ssyncset.done $0x0;
	(pc) =	sbr.rel @p0 .LBB2_2-.Ltmp0, $4  }
0x2b: {  	s19 =	sadd.s32 $0x2800, s20;
	[sflag:s16] =	ssyncadd.s32 $0xFFFFC000  }
0x2c: {  	[spmem:s3] =	stream.indirect.scatter.add.f32 [tilespmem:s15], [sflag:$0x2], $0x80, s19, s14, $0xb8;
	[tilespmem:$0x1CC00] =	vst v63  }
0x2d: {  	_ =	swait.ge [sflag:s12], $0x4000  }
0x2e: {  	s19 =	smov.u32 s21;
	[sflag:s12] =	ssyncset.done $0x0  }
0x2f: {  	s18 =	sshra.s32 s18, $0x2;
	[sflag:s12] =	ssyncadd.s32 $0xFFFFC000  }
0x30: {  	[tilespmem:s15], [sflag:$0x1] =	stream.indirect.gather [hbm4b:s0+s14], $0x80, s18, s14, $0xb8;
	[tilespmem:$0x1CC00] =	vst v63  }
0x31: {  	_ =	swait.ge [sflag:s16], $0x4000  }
0x32: {  	[sflag:s16] =	ssyncset.done $0x0  }
0x33: {  	s18 =	sadd.s32 $0x2800, s18;
	[sflag:s16] =	ssyncadd.s32 $0xFFFFC000  }
0x34: {  	[spmem:s3] =	stream.indirect.scatter.add.f32 [tilespmem:s15], [sflag:$0x2], $0x80, s18, s14, $0xb8;
	[tilespmem:$0x1CC00] =	vst v63  }
0x35: {  	_ =	swait.ge [sflag:s12], $0x4000  }
0x36: {  	s17 =	sadd.s32 $0x1, s17;
	[sflag:s12] =	ssyncset.done $0x0  }
0x37: {  	p0 =	sne.s32 s17, s10;
	[sflag:s12] =	ssyncadd.s32 $0xFFFFC000  }
.Ltmp1:
0x38: {  	[bflag:$0x0] =	sbarrier.arrive $0xFFFF;
	(pc) =	sbr.rel @p0 .LBB2_1-.Ltmp1, $4  }
0x39: {  	[hbm:s9], [sflag:s6] =	dma.local [spmem:s11], $0x2780  }
0x3a: {  	_ =	swait.ge [sflag:s12], $0x2780  }
0x3b: {  	[sflag:s12] =	ssyncset.done $0x0  }
0x3c: {  	[sflag:s12] =	ssyncadd.s32 $0xFFFFD880  }
0x3d: {  	_ =	sfence.sel $0x180000  }
0x3e: {  	[bflag:$0x0] =	sbarrier.arrive $0xFFFF  }
0x3f: {  	p0 =	sne.s32 s2, $0x0;
	_ =	strace $0x90000047  }
0x40: {  	s0 =	sadd.s32 @!p0 $0x100000, s1;
	[bflag:$0x2] =	sbarrier.arrive $0xFFFF  }
0x41: {  	[sflag:s0] =	ssyncadd.tile.s32 @!p0 $0x1;
	_ =	shalt  }
.Lfunc_end2:
_tile_overlayer_lowered:
.L_overlay_start_2:
0x42: {  	(tag) =	ssettag $0x2  }
0x43: {  	s0 =	rddreg [dreg:$0x0];
	s2 =	stileid.u32  }
0x44: {  	s1 =	rddreg [dreg:$0x1];
	p0 =	sne.s32 s2, $0x0  }
0x45: {  	s3 =	rddreg [dreg:$0x2];
	[bflag:$0x3] =	sbarrier.arrive $0xFFFF;
	s2 =	simm.s32 @!p0 $0x1C02  }
0x46: {  	[timem:s3], [sflag:s2] =	dma.local @!p0 [hbm:s0], s1  }
0x47: {  	s0 =	simm.s32 @!p0 $0x2  }
0x48: {  	_ =	swait.ge @!p0 [sflag:s0], s1  }
0x49: {  	s1 =	ssub.s32 @!p0 $0x0, s1;
	[sflag:s0] =	ssyncset.done @!p0 $0x0  }
0x4a: {  	[sflag:s0] =	ssyncadd.s32 @!p0 s1  }
0x4b: {  	[bflag:$0x3] =	sbarrier.arrive $0xFFFF  }
0x4c: {  	_ =	shalt  }

</sc_bundles>
